<compile_context>
chip_gen: v7x
topology: tpu7x:2x2x1
jax: 0.10.2.dev20260603
libtpu: 0.0.44.dev20260713+nightly
codegen_flags: <defaults>
</compile_context>

<pallas_src>
import functools

import jax
import jax.numpy as jnp
from jax import lax
from jax.experimental import pallas as pl
from jax.experimental.pallas import tpu as pltpu
from jax.experimental.pallas import tpu_sc as plsc

_mesh = plsc.ScalarSubcoreMesh(axis_name="c", num_cores=1)


@functools.partial(
    pl.kernel,
    mesh=_mesh,
    out_type=jax.ShapeDtypeStruct((2, 2), jnp.float32),
    scratch_types=[
        pltpu.SMEM((2, 2), jnp.float32),
        pltpu.SMEM((2, 2), jnp.float32),
        pltpu.SemaphoreType.DMA,
        pltpu.SemaphoreType.DMA,
    ],
)
def _add22(x_hbm, y_hbm, o_hbm, xs, ys, sem_x, sem_y):
    cx = pltpu.async_copy(x_hbm, xs, sem_x)
    cy = pltpu.async_copy(y_hbm, ys, sem_y)
    cx.wait()
    cy.wait()
    for i in range(2):
        for j in range(2):
            xs[i, j] = xs[i, j] + ys[i, j]
    pltpu.sync_copy(xs, o_hbm)


def kernel(Y, X):
    return _add22(X, Y)

# --- scband reference (transcript-rebuilt; emitter-appended) ---
"""Pipeline reference for scband-my-model-61933428412103 (READ-ONLY COPY).

The authoritative reference and input builder live on the scoring server;
editing this copy changes nothing except your own understanding.
"""

import jax, jax.numpy as jnp
import numpy as np

def setup_inputs(seed: int = 0) -> dict:
    key = jax.random.key(seed)
    k1, k2 = jax.random.split(key)
    Y = jax.random.normal(k1, (2, 2), dtype=jnp.float32)
    # X is a fixed random buffer created in __init__ (stored sparse CSC in torch,
    # but mathematically a dense 2x2 matrix); sparse+dense add returns dense.
    X = jax.random.normal(k2, (2, 2), dtype=jnp.float32)
    return {"Y": Y, "X": X}

def reference(Y, X):
    # torch: self.X (sparse CSC) + Y -> elementwise add, dense result
    return X + Y

if __name__ == "__main__":
    import jax
    _d = setup_inputs()
    print(jax.jit(kernel)(*tuple(_d.values())))

</pallas_src>

<mosaic_0001>
#map = affine_map<(d0) -> (0, 0)>
module attributes {stable_mosaic.version = 14 : i64} {
  func.func @_add22(%arg0: i32, %arg1: memref<2x2xf32, #tpu.memory_space<hbm>>, %arg2: memref<2x2xf32, #tpu.memory_space<hbm>>, %arg3: memref<2x2xf32, #tpu.memory_space<hbm>>, %arg4: memref<2x2xf32, #tpu.memory_space<smem>>, %arg5: memref<2x2xf32, #tpu.memory_space<smem>>, %arg6: memref<!tpu.dma_semaphore, #tpu.memory_space<semaphore_mem>>, %arg7: memref<!tpu.dma_semaphore, #tpu.memory_space<semaphore_mem>>) attributes {dimension_semantics = [#tpu.dimension_semantics<core_parallel>], iteration_bounds = array<i64: 1>, scalar_prefetch = 0 : i64, scratch_operands = 4 : i64, tpu.core_type = #tpu.core_type<sc_scalar_subcore>, window_params = [{transform_indices = #map}, {transform_indices = #map}, {transform_indices = #map}]} {
    tpu.enqueue_dma source(%arg1 : memref<2x2xf32, #tpu.memory_space<hbm>>) target(%arg4 : memref<2x2xf32, #tpu.memory_space<smem>>) target_semaphore(%arg6 : memref<!tpu.dma_semaphore, #tpu.memory_space<semaphore_mem>>)
    tpu.enqueue_dma source(%arg2 : memref<2x2xf32, #tpu.memory_space<hbm>>) target(%arg5 : memref<2x2xf32, #tpu.memory_space<smem>>) target_semaphore(%arg7 : memref<!tpu.dma_semaphore, #tpu.memory_space<semaphore_mem>>)
    tpu.wait_dma2 semaphore(%arg6 : memref<!tpu.dma_semaphore, #tpu.memory_space<semaphore_mem>>) src(%arg1 : memref<2x2xf32, #tpu.memory_space<hbm>>) dst(%arg4 : memref<2x2xf32, #tpu.memory_space<smem>>)
    tpu.wait_dma2 semaphore(%arg7 : memref<!tpu.dma_semaphore, #tpu.memory_space<semaphore_mem>>) src(%arg2 : memref<2x2xf32, #tpu.memory_space<hbm>>) dst(%arg5 : memref<2x2xf32, #tpu.memory_space<smem>>)
    %get3A = arith.constant 0 : i32
    %get3A_0 = arith.constant 0 : i32
    %get3A_1 = arith.index_cast %get3A : i32 to index
    %get3A_2 = arith.index_cast %get3A_0 : i32 to index
    %get3A_3 = memref.load %arg4[%get3A_1, %get3A_2] : memref<2x2xf32, #tpu.memory_space<smem>>
    %get3A_4 = arith.constant 0 : i32
    %get3A_5 = arith.constant 0 : i32
    %get3A_6 = arith.index_cast %get3A_4 : i32 to index
    %get3A_7 = arith.index_cast %get3A_5 : i32 to index
    %get3A_8 = memref.load %arg5[%get3A_6, %get3A_7] : memref<2x2xf32, #tpu.memory_space<smem>>
    %add3A = arith.addf %get3A_3, %get3A_8 : f32
    %swap3A = arith.constant 0 : i32
    %swap3A_9 = arith.constant 0 : i32
    %swap3A_10 = arith.index_cast %swap3A : i32 to index
    %swap3A_11 = arith.index_cast %swap3A_9 : i32 to index
    %swap3A_12 = memref.load %arg4[%swap3A_10, %swap3A_11] : memref<2x2xf32, #tpu.memory_space<smem>>
    memref.store %add3A, %arg4[%swap3A_10, %swap3A_11] : memref<2x2xf32, #tpu.memory_space<smem>>
    %get3A_13 = arith.constant 0 : i32
    %get3A_14 = arith.constant 1 : i32
    %get3A_15 = arith.index_cast %get3A_13 : i32 to index
    %get3A_16 = arith.index_cast %get3A_14 : i32 to index
    %get3A_17 = memref.load %arg4[%get3A_15, %get3A_16] : memref<2x2xf32, #tpu.memory_space<smem>>
    %get3A_18 = arith.constant 0 : i32
    %get3A_19 = arith.constant 1 : i32
    %get3A_20 = arith.index_cast %get3A_18 : i32 to index
    %get3A_21 = arith.index_cast %get3A_19 : i32 to index
    %get3A_22 = memref.load %arg5[%get3A_20, %get3A_21] : memref<2x2xf32, #tpu.memory_space<smem>>
    %add3A_23 = arith.addf %get3A_17, %get3A_22 : f32
    %swap3A_24 = arith.constant 0 : i32
    %swap3A_25 = arith.constant 1 : i32
    %swap3A_26 = arith.index_cast %swap3A_24 : i32 to index
    %swap3A_27 = arith.index_cast %swap3A_25 : i32 to index
    %swap3A_28 = memref.load %arg4[%swap3A_26, %swap3A_27] : memref<2x2xf32, #tpu.memory_space<smem>>
    memref.store %add3A_23, %arg4[%swap3A_26, %swap3A_27] : memref<2x2xf32, #tpu.memory_space<smem>>
    %get3A_29 = arith.constant 1 : i32
    %get3A_30 = arith.constant 0 : i32
    %get3A_31 = arith.index_cast %get3A_29 : i32 to index
    %get3A_32 = arith.index_cast %get3A_30 : i32 to index
    %get3A_33 = memref.load %arg4[%get3A_31, %get3A_32] : memref<2x2xf32, #tpu.memory_space<smem>>
    %get3A_34 = arith.constant 1 : i32
    %get3A_35 = arith.constant 0 : i32
    %get3A_36 = arith.index_cast %get3A_34 : i32 to index
    %get3A_37 = arith.index_cast %get3A_35 : i32 to index
    %get3A_38 = memref.load %arg5[%get3A_36, %get3A_37] : memref<2x2xf32, #tpu.memory_space<smem>>
    %add3A_39 = arith.addf %get3A_33, %get3A_38 : f32
    %swap3A_40 = arith.constant 1 : i32
    %swap3A_41 = arith.constant 0 : i32
    %swap3A_42 = arith.index_cast %swap3A_40 : i32 to index
    %swap3A_43 = arith.index_cast %swap3A_41 : i32 to index
    %swap3A_44 = memref.load %arg4[%swap3A_42, %swap3A_43] : memref<2x2xf32, #tpu.memory_space<smem>>
    memref.store %add3A_39, %arg4[%swap3A_42, %swap3A_43] : memref<2x2xf32, #tpu.memory_space<smem>>
    %get3A_45 = arith.constant 1 : i32
    %get3A_46 = arith.constant 1 : i32
    %get3A_47 = arith.index_cast %get3A_45 : i32 to index
    %get3A_48 = arith.index_cast %get3A_46 : i32 to index
    %get3A_49 = memref.load %arg4[%get3A_47, %get3A_48] : memref<2x2xf32, #tpu.memory_space<smem>>
    %get3A_50 = arith.constant 1 : i32
    %get3A_51 = arith.constant 1 : i32
    %get3A_52 = arith.index_cast %get3A_50 : i32 to index
    %get3A_53 = arith.index_cast %get3A_51 : i32 to index
    %get3A_54 = memref.load %arg5[%get3A_52, %get3A_53] : memref<2x2xf32, #tpu.memory_space<smem>>
    %add3A_55 = arith.addf %get3A_49, %get3A_54 : f32
    %swap3A_56 = arith.constant 1 : i32
    %swap3A_57 = arith.constant 1 : i32
    %swap3A_58 = arith.index_cast %swap3A_56 : i32 to index
    %swap3A_59 = arith.index_cast %swap3A_57 : i32 to index
    %swap3A_60 = memref.load %arg4[%swap3A_58, %swap3A_59] : memref<2x2xf32, #tpu.memory_space<smem>>
    memref.store %add3A_55, %arg4[%swap3A_58, %swap3A_59] : memref<2x2xf32, #tpu.memory_space<smem>>
    "tpu.region"() ({
      %run_scoped3A = tpu.sem_alloc : memref<!tpu.dma_semaphore, #tpu.memory_space<semaphore_mem>>
      tpu.enqueue_dma source(%arg4 : memref<2x2xf32, #tpu.memory_space<smem>>) target(%arg3 : memref<2x2xf32, #tpu.memory_space<hbm>>) target_semaphore(%run_scoped3A : memref<!tpu.dma_semaphore, #tpu.memory_space<semaphore_mem>>)
      tpu.wait_dma2 semaphore(%run_scoped3A : memref<!tpu.dma_semaphore, #tpu.memory_space<semaphore_mem>>) src(%arg4 : memref<2x2xf32, #tpu.memory_space<smem>>) dst(%arg3 : memref<2x2xf32, #tpu.memory_space<hbm>>)
      tpu.yield
    }) : () -> ()
    return
  }
}

</mosaic_0001>

<sc_bundles>
// kernel: kernel.3.cloned.1.call-start
scs
__scs_entry_jumppad:
0x0: {  	(pc) =	sbr.rel $0x88, $3  }
0x1: {  	(tag) =	ssettag $0x0;
	lr =	simm.s32 $0x1  }
0x2: {  	[smem:$0x3F9F] =	sst lr;
	_ =	strace $0xD0000000  }
0x3: {  	_ = 	snop  }
0x4: {  	_ = 	snop  }
0x5: {  	_ = 	snop  }
0x6: {  	_ = 	snop  }
0x7: {  	_ = 	snop  }
__scs_overlays_trampoline_lowered:
0x8: {  	[smem:$0x3FAE] =	sst s0  }
0x9: {  	[smem:$0x3FAF] =	sst s1  }
0xa: {  	[smem:$0x3FB0] =	sst s2  }
0xb: {  	[smem:$0x3FB1] =	sst s3  }
0xc: {  	[smem:$0x3FB2] =	sst s4  }
0xd: {  	[smem:$0x3FB3] =	sst s5  }
0xe: {  	[smem:$0x3FB4] =	sst s6  }
0xf: {  	[smem:$0x3FB5] =	sst s7  }
0x10: {  	[smem:$0x3FB6] =	sst s8  }
0x11: {  	[smem:$0x3FB7] =	sst s9;
	s0 =	simm.s32 @!p0 $0x0  }
0x12: {  	s1 =	sld [smem:$0x3F9D];
	s0 =	simm.s32 @p0 $0x1  }
0x13: {  	[smem:$0x3FB8] =	sst s0;
	s0 =	simm.s32 @!p1 $0x0  }
0x14: {  	s2 =	sld [smem:$0x3F9C];
	s0 =	simm.s32 @p1 $0x1  }
0x15: {  	[smem:$0x3FB9] =	sst s0;
	s0 =	simm.s32 @!p2 $0x0  }
0x16: {  	s3 =	sld [smem:$0x3FDB];
	s0 =	simm.s32 @p2 $0x1  }
0x17: {  	s4 =	simm.s32 $0x1BF5;
	[smem:$0x3FBB] =	sst s0  }
0x18: {  	s0 =	sld [smem:$0x3F9E];
	_ =	swait.ge [sflag:s4], $0x0  }
0x19: {  	s7 =	sld [smem:$0x3F9F]  }
0x1a: {  	s8 =	sadd.s32 $0xFFFFE003, lr  }
0x1b: {  	s9 =	sadd.s32 $0xFFFFFEF7, lr;
	s5 =	simm.s32 $0xFFFFFFFF;
	p2 =	slt.u32 s8, $0xFFFFF086  }
0x1c: {  	p1 =	slt.u32 s9, $0xF7A;
	s5 =	simm.s32 @!p2 $0x0  }
0x1d: {  	s5 =	simm.s32 @p1 $0x1;
	p0 =	seq.s32 s7, s2  }
0x1e: {  	s7 =	smul.u32 @!p0 $0xF7A, s2;
	p2 =	seq.s32 @!p0 s5, $0x0  }
0x1f: {  	s9 =	smul.u32 $0xF7A, s1;
	s8 =	simm.s32 @!p0 $0x1BF5;
	p2 =	por !p2, p0  }
0x20: {  	[sflag:s8] =	ssyncset.s32 @!p0 $0xFFFFF086;
	s6 =	sadd.s32 @!p0 s3, s7;
	s7 =	simm.s32 @!p0 $0x108  }
0x21: {  	s3 =	sadd.s32 s3, s9;
	s6 =	sadd.s32 @!p0 $0x88, s6;
	s7 =	simm.s32 @p2 $0x1082  }
0x22: {  	[simem:s7], [sflag:s8] =	dma.local @!p0 [hbm:s6], $0xF7A  }
0x23: {  	s9 =	sor.u32 $0xD0000000, s2;
	s6 =	simm.s32 $0x108;
	_ =	swait.ge @!p0 [sflag:s8], $0x0  }
0x24: {  	s3 =	sadd.s32 $0x88, s3;
	s6 =	simm.s32 @!p1 $0x1082;
	[sflag:s4] =	ssyncset.s32 $0xFFFFF086  }
0x25: {  	[simem:s6], [sflag:s4] =	dma.local [hbm:s3], $0xF7A  }
0x26: {  	[smem:$0x3F9F] =	sst s1;
	(tag) =	ssettag s2;
	_ =	strace s9  }
0x27: {  	s1 =	sld [smem:$0x3FAF]  }
0x28: {  	s2 =	sld [smem:$0x3FB0]  }
0x29: {  	s4 =	sld [smem:$0x3FB2]  }
0x2a: {  	p0 =	seq.s32 s5, $0x0;
	s5 =	sld [smem:$0x3FB3]  }
0x2b: {  	s6 =	sld [smem:$0x3FB4]  }
0x2c: {  	s7 =	sld [smem:$0x3FB5]  }
0x2d: {  	s3 =	simm.s32 $0x108;
	s8 =	sld [smem:$0x3FB6]  }
0x2e: {  	s3 =	simm.s32 @!p0 $0x1082;
	s9 =	sld [smem:$0x3FB7]  }
0x2f: {  	lr =	sadd.s32 s0, s3;
	s0 =	sld [smem:$0x3FAE]  }
0x30: {  	s3 =	sld [smem:$0x3FB1]  }
0x31: {  	[smem:$0x3FBA] =	sst s10  }
0x32: {  	s10 =	sld [smem:$0x3FB8];
	_ =	sdelay $0x3  }
0x33: {  	p0 =	seq.s32 s10, $0x1;
	s10 =	sld [smem:$0x3FBA];
	_ =	sdelay $0x3  }
0x34: {  	[smem:$0x3FBA] =	sst s10  }
0x35: {  	s10 =	sld [smem:$0x3FB9];
	_ =	sdelay $0x3  }
0x36: {  	p1 =	seq.s32 s10, $0x1;
	s10 =	sld [smem:$0x3FBA];
	_ =	sdelay $0x3  }
0x37: {  	[smem:$0x3FBA] =	sst s10  }
0x38: {  	s10 =	sld [smem:$0x3FBB]  }
0x39: {  	_ = 	snop;
	(pc) =	sbr.ind lr, $3  }
0x3a: {  	_ = 	snop  }
0x3b: {  	_ = 	snop  }
0x3c: {  	p2 =	seq.s32 s10, $0x1;
	s10 =	sld [smem:$0x3FBA]  }
0x3d: {  	_ =	shalt  }
0x3e: {  	_ =	shalt  }
0x3f: {  	_ =	shalt  }
0x40: {  	_ =	shalt  }
0x41: {  	_ =	shalt  }
0x42: {  	_ =	shalt  }
0x43: {  	_ =	shalt  }
0x44: {  	_ =	shalt  }
0x45: {  	_ =	shalt  }
0x46: {  	_ =	shalt  }
0x47: {  	_ =	shalt  }
0x48: {  	_ =	shalt  }
0x49: {  	_ =	shalt  }
0x4a: {  	_ =	shalt  }
0x4b: {  	_ =	shalt  }
0x4c: {  	_ =	shalt  }
0x4d: {  	_ =	shalt  }
0x4e: {  	_ =	shalt  }
0x4f: {  	_ =	shalt  }
0x50: {  	_ =	shalt  }
0x51: {  	_ =	shalt  }
0x52: {  	_ =	shalt  }
0x53: {  	_ =	shalt  }
0x54: {  	_ =	shalt  }
0x55: {  	_ =	shalt  }
0x56: {  	_ =	shalt  }
0x57: {  	_ =	shalt  }
0x58: {  	_ =	shalt  }
0x59: {  	_ =	shalt  }
0x5a: {  	_ =	shalt  }
0x5b: {  	_ =	shalt  }
0x5c: {  	_ =	shalt  }
0x5d: {  	_ =	shalt  }
0x5e: {  	_ =	shalt  }
0x5f: {  	_ =	shalt  }
0x60: {  	_ =	shalt  }
0x61: {  	_ =	shalt  }
0x62: {  	_ =	shalt  }
0x63: {  	_ =	shalt  }
0x64: {  	_ =	shalt  }
0x65: {  	_ =	shalt  }
0x66: {  	_ =	shalt  }
0x67: {  	_ =	shalt  }
0x68: {  	_ =	shalt  }
0x69: {  	_ =	shalt  }
0x6a: {  	_ =	shalt  }
0x6b: {  	_ =	shalt  }
0x6c: {  	_ =	shalt  }
0x6d: {  	_ =	shalt  }
0x6e: {  	_ =	shalt  }
0x6f: {  	_ =	shalt  }
0x70: {  	_ =	shalt  }
0x71: {  	_ =	shalt  }
0x72: {  	_ =	shalt  }
0x73: {  	_ =	shalt  }
0x74: {  	_ =	shalt  }
0x75: {  	_ =	shalt  }
0x76: {  	_ =	shalt  }
0x77: {  	_ =	shalt  }
0x78: {  	_ =	shalt  }
0x79: {  	_ =	shalt  }
0x7a: {  	_ =	shalt  }
0x7b: {  	_ =	shalt  }
0x7c: {  	_ =	shalt  }
0x7d: {  	_ =	shalt  }
0x7e: {  	_ =	shalt  }
0x7f: {  	_ =	shalt  }
0x80: {  	_ =	shalt  }
0x81: {  	_ =	shalt  }
0x82: {  	_ =	shalt  }
0x83: {  	_ =	shalt  }
0x84: {  	_ =	shalt  }
0x85: {  	_ =	shalt  }
0x86: {  	_ =	shalt  }
0x87: {  	_ =	shalt  }
.Lfunc_end0:
.L_simem_size_0:
called_computation_lowered:
.L_overlay_start_0:
0x88: {  	s0 =	sld [smem:$0x3FD9]  }
0x89: {  	s1 =	sld [smem:$0x3FFE];
	_ =	sdelay $0x3  }
0x8a: {  	s0 =	sadd.s32 s1, s0  }
0x8b: {  	[smem:$0x3FC6] =	sst s0  }
0x8c: {  	_ = 	snop  }
0x8d: {  	s0 =	sld [smem:$0x3FC9]  }
0x8e: {  	s16 =	sld [smem:$0x3FC8]  }
0x8f: {  	s2 =	sld [smem:$0x3FD0];
	(tm) =	ssettm $0x1  }
0x90: {  	s3 =	sld [smem:$0x3FFB];
	_ =	sdelay $0x3  }
0x91: {  	_ =	strace s3  }
0x92: {  	s3 =	sld [smem:$0x3FFC];
	_ =	sdelay $0x3  }
0x93: {  	_ =	strace s3  }
0x94: {  	s3 =	sld [smem:$0x3FFD];
	_ =	sdelay $0x3  }
0x95: {  	_ =	strace s3  }
0x96: {  	s17 =	simm.s32 $0x1B8B;
	_ =	strace $0x8FFFFFFF  }
0x97: {  	_ =	swait.ge [sflag:s17], $0x1  }
0x98: {  	[sflag:s17] =	ssyncset.done $0x0  }
0x99: {  	s18 =	simm.s32 $0x1B8E;
	[sflag:s17] =	ssyncadd.s32 $0xFFFFFFFF  }
0x9a: {  	s19 =	simm.s32 $0x9;
	s4 =	simm.s32 $0x10;
	[smem:$0x3FD2] =	sst s18  }
0x9b: {  	s20 =	simm.s32 $0xA;
	s5 =	simm.s32 $0x110;
	_ =	strace $0x80000046  }
0x9c: {  	[smem:s4], [sflag:s19] =	dma.local [hbm:s16], $0x20  }
0x9d: {  	[smem:s5], [sflag:s20] =	dma.local [hbm:s0], $0x20  }
0x9e: {  	_ =	swait.ge [sflag:s19], $0x20  }
0x9f: {  	[sflag:s19] =	ssyncset.done $0x0  }
0xa0: {  	[sflag:s19] =	ssyncadd.s32 $0xFFFFFFE0;
	_ =	sdelay $0x2  }
0xa1: {  	_ =	swait.ge [sflag:s20], $0x20  }
0xa2: {  	[sflag:s20] =	ssyncset.done $0x0  }
0xa3: {  	[sflag:s20] =	ssyncadd.s32 $0xFFFFFFE0  }
0xa4: {  	s21 =	sld [smem:$0x10]  }
0xa5: {  	s1 =	sld [smem:$0x110];
	_ =	sdelay $0x3  }
0xa6: {  	s0 =	sadd.f32 s1, s21;
	_ =	sdelay $0x1  }
0xa7: {  	[smem:$0x10] =	sst s0  }
0xa8: {  	s0 =	sld [smem:$0x11]  }
0xa9: {  	s22 =	sld [smem:$0x111];
	_ =	sdelay $0x3  }
0xaa: {  	s0 =	sadd.f32 s22, s0  }
0xab: {  	s23 =	sld [smem:$0x90]  }
0xac: {  	[smem:$0x11] =	sst s0  }
0xad: {  	s24 =	sld [smem:$0x190];
	_ =	sdelay $0x3  }
0xae: {  	s0 =	sadd.f32 s24, s23;
	_ =	sdelay $0x1  }
0xaf: {  	[smem:$0x90] =	sst s0  }
0xb0: {  	s0 =	sld [smem:$0x91]  }
0xb1: {  	s25 =	sld [smem:$0x191];
	_ =	sdelay $0x3  }
0xb2: {  	s0 =	sadd.f32 s25, s0;
	_ =	sdelay $0x1  }
0xb3: {  	s26 =	simm.s32 $0xB;
	[smem:$0x91] =	sst s0  }
0xb4: {  	[hbm:s2], [sflag:s26] =	dma.local [smem:s4], $0x20  }
0xb5: {  	_ =	swait.ge [sflag:s26], $0x20  }
0xb6: {  	[sflag:s26] =	ssyncset.done $0x0  }
0xb7: {  	[sflag:s26] =	ssyncadd.s32 $0xFFFFFFE0  }
0xb8: {  	_ =	strace $0x90000046  }
0xb9: {  	_ =	sfence  }
0xba: {  	s28 =	sld [smem:$0x0];
	_ =	sdelay $0x1  }
0xbb: {  	s29 =	srdreg.scid  }
0xbc: {  	s30 =	sshll.u32 s29, $0xD;
	s31 =	sshrl.u32 s29, $0x2  }
0xbd: {  	s1 =	sand.u32 $0x1, s29;
	s2 =	sand.u32 $0x4000, s30;
	s0 =	sadd.s32 s31, s28  }
0xbe: {  	s1 =	sor.u32 s2, s1;
	s0 =	sshll.u32 s0, $0x11  }
0xbf: {  	s0 =	sor.u32 s0, s1  }
0xc0: {  	s0 =	sadd.s32 $0x8F2B, s0;
	(pc) =	sbr.abs _section_cstart, $3  }
0xc1: {  	[sflag:s0] =	ssyncadd.remote.s32 $0x1  }
0xc2: {  	_ =	strace $0x9FFFFFFF  }
0xc3: {  	(tm) =	ssettm $0x7FFFFFFF  }

</sc_bundles>
